<compile_context>
chip_gen: v7x
topology: tpu7x:2x2x1
jax: 0.10.2.dev20260603
libtpu: 0.0.44.dev20260713+nightly
codegen_flags: <defaults>
</compile_context>

<pallas_src>
import functools

import jax
import jax.numpy as jnp
from jax import lax
from jax.experimental import pallas as pl
from jax.experimental.pallas import tpu as pltpu
from jax.experimental.pallas import tpu_sc as plsc

_N = 10000
_D = 128
_TOTAL = _N * _D
_NW = 32
_CPW = 4
_CHUNK = _TOTAL // (_NW * _CPW)
_LANES = 16
_UNROLL = 5


def _make_sc_add():
    mesh = plsc.VectorSubcoreMesh(core_axis_name="c", subcore_axis_name="s")

    @functools.partial(
        pl.kernel,
        mesh=mesh,
        out_type=jax.ShapeDtypeStruct((_TOTAL,), jnp.float32),
        scratch_types=(
            [pltpu.VMEM((_CHUNK,), jnp.float32) for _ in range(2 * _CPW)]
            + [pltpu.SemaphoreType.DMA for _ in range(3 * _CPW)]
        ),
    )
    def sc_add(x_hbm, pos_hbm, out_hbm, *scratch):
        bufx = scratch[0:_CPW]
        bufp = scratch[_CPW:2 * _CPW]
        sx = scratch[2 * _CPW:3 * _CPW]
        sp = scratch[3 * _CPW:4 * _CPW]
        so = scratch[4 * _CPW:5 * _CPW]
        wid = lax.axis_index("s") * 2 + lax.axis_index("c")

        def start_in(t):
            base = (wid * _CPW + t) * _CHUNK
            hx = pltpu.async_copy(x_hbm.at[pl.ds(base, _CHUNK)], bufx[t], sx[t])
            hp = pltpu.async_copy(pos_hbm.at[pl.ds(base, _CHUNK)], bufp[t], sp[t])
            return hx, hp

        def start_out(t):
            base = (wid * _CPW + t) * _CHUNK
            return pltpu.async_copy(bufx[t], out_hbm.at[pl.ds(base, _CHUNK)], so[t])

        def compute(t):
            xv, pv = bufx[t], bufp[t]

            @plsc.parallel_loop(0, _CHUNK, step=_LANES, unroll=_UNROLL)
            def body(i):
                sl = pl.ds(i, _LANES)
                plsc.addupdate(xv.at[sl], pv[sl])

        in_h = [start_in(t) for t in range(_CPW)]
        out_h = []
        for t in range(_CPW):
            hx, hp = in_h[t]
            hx.wait()
            hp.wait()
            compute(t)
            out_h.append(start_out(t))
        for h in out_h:
            h.wait()

    return sc_add


_sc_add = _make_sc_add()


def kernel(x, edge_index, pos_embedding):
    n, d = x.shape
    out_flat = _sc_add(x.reshape(-1), pos_embedding.reshape(-1))
    return out_flat.reshape(n, d)

# --- scband reference (transcript-rebuilt; emitter-appended) ---
"""Pipeline reference for scband-graph-positional-encoding-36842229465570 (READ-ONLY COPY).

The authoritative reference and input builder live on the scoring server;
editing this copy changes nothing except your own understanding.
"""

import jax, jax.numpy as jnp
import numpy as np

NUM_NODES = 10000
EMBED_DIM = 128
N_EDGES = 320000


def setup_inputs(seed: int = 0) -> dict:
    key = jax.random.key(seed)
    k_x, k_e, k_w = jax.random.split(key, 3)
    x = jax.random.normal(k_x, (NUM_NODES, EMBED_DIM), dtype=jnp.float32)
    edge_index = jax.random.randint(k_e, (2, N_EDGES), 0, NUM_NODES, dtype=jnp.int64)
    # learned positional embedding table (nn.Embedding weight)
    pos_embedding = jax.random.normal(k_w, (NUM_NODES, EMBED_DIM), dtype=jnp.float32)
    return {"x": x, "edge_index": edge_index, "pos_embedding": pos_embedding}


def reference(x, edge_index, pos_embedding):
    # node_ids = torch.arange(x.size(0))
    node_ids = jnp.arange(x.shape[0])
    # pos_emb = self.pos_embedding(node_ids)  -> embedding gather
    pos_emb = jnp.take(pos_embedding, node_ids, axis=0)
    # edge_index is unused by the original forward, kept for signature fidelity
    return x + pos_emb

if __name__ == "__main__":
    import jax
    _d = setup_inputs()
    print(jax.jit(kernel)(*tuple(_d.values())))

</pallas_src>

<mosaic_0001>
#map = affine_map<(d0, d1) -> (0)>
module attributes {stable_mosaic.version = 14 : i64} {
  func.func @sc_add(%arg0: i32, %arg1: i32, %arg2: memref<1280000xf32, #tpu.memory_space<hbm>>, %arg3: memref<1280000xf32, #tpu.memory_space<hbm>>, %arg4: memref<1280000xf32, #tpu.memory_space<hbm>>, %arg5: memref<10000xf32, #tpu.memory_space<vmem>>, %arg6: memref<10000xf32, #tpu.memory_space<vmem>>, %arg7: memref<10000xf32, #tpu.memory_space<vmem>>, %arg8: memref<10000xf32, #tpu.memory_space<vmem>>, %arg9: memref<10000xf32, #tpu.memory_space<vmem>>, %arg10: memref<10000xf32, #tpu.memory_space<vmem>>, %arg11: memref<10000xf32, #tpu.memory_space<vmem>>, %arg12: memref<10000xf32, #tpu.memory_space<vmem>>, %arg13: memref<!tpu.dma_semaphore, #tpu.memory_space<semaphore_mem>>, %arg14: memref<!tpu.dma_semaphore, #tpu.memory_space<semaphore_mem>>, %arg15: memref<!tpu.dma_semaphore, #tpu.memory_space<semaphore_mem>>, %arg16: memref<!tpu.dma_semaphore, #tpu.memory_space<semaphore_mem>>, %arg17: memref<!tpu.dma_semaphore, #tpu.memory_space<semaphore_mem>>, %arg18: memref<!tpu.dma_semaphore, #tpu.memory_space<semaphore_mem>>, %arg19: memref<!tpu.dma_semaphore, #tpu.memory_space<semaphore_mem>>, %arg20: memref<!tpu.dma_semaphore, #tpu.memory_space<semaphore_mem>>, %arg21: memref<!tpu.dma_semaphore, #tpu.memory_space<semaphore_mem>>, %arg22: memref<!tpu.dma_semaphore, #tpu.memory_space<semaphore_mem>>, %arg23: memref<!tpu.dma_semaphore, #tpu.memory_space<semaphore_mem>>, %arg24: memref<!tpu.dma_semaphore, #tpu.memory_space<semaphore_mem>>) attributes {dimension_semantics = [#tpu.dimension_semantics<core_parallel>, #tpu.dimension_semantics<subcore_parallel>], iteration_bounds = array<i64: 2, 16>, scalar_prefetch = 0 : i64, scratch_operands = 20 : i64, tpu.core_type = #tpu.core_type<sc_vector_subcore>, window_params = [{transform_indices = #map}, {transform_indices = #map}, {transform_indices = #map}]} {
    %mul3A = arith.constant 2 : i32
    %mul3A_0 = arith.muli %arg1, %mul3A : i32
    %add3A = arith.addi %mul3A_0, %arg0 : i32
    %mul3A_1 = arith.constant 4 : i32
    %mul3A_2 = arith.muli %add3A, %mul3A_1 : i32
    %add3A_3 = arith.constant 0 : i32
    %add3A_4 = arith.addi %mul3A_2, %add3A_3 : i32
    %mul3A_5 = arith.constant 10000 : i32
    %mul3A_6 = arith.muli %add3A_4, %mul3A_5 : i32
    %dma_start3A = tpu.memref_slice %arg2[%mul3A_6] : memref<1280000xf32, #tpu.memory_space<hbm>> -> memref<10000xf32, #tpu.memory_space<hbm>>
    %dma_start3A_7 = tpu.memref_slice %arg2[%mul3A_6] : memref<1280000xf32, #tpu.memory_space<hbm>> -> memref<10000xf32, #tpu.memory_space<hbm>>
    tpu.enqueue_dma source(%dma_start3A_7 : memref<10000xf32, #tpu.memory_space<hbm>>) target(%arg5 : memref<10000xf32, #tpu.memory_space<vmem>>) target_semaphore(%arg13 : memref<!tpu.dma_semaphore, #tpu.memory_space<semaphore_mem>>)
    %dma_start3A_8 = tpu.memref_slice %arg3[%mul3A_6] : memref<1280000xf32, #tpu.memory_space<hbm>> -> memref<10000xf32, #tpu.memory_space<hbm>>
    %dma_start3A_9 = tpu.memref_slice %arg3[%mul3A_6] : memref<1280000xf32, #tpu.memory_space<hbm>> -> memref<10000xf32, #tpu.memory_space<hbm>>
    tpu.enqueue_dma source(%dma_start3A_9 : memref<10000xf32, #tpu.memory_space<hbm>>) target(%arg9 : memref<10000xf32, #tpu.memory_space<vmem>>) target_semaphore(%arg17 : memref<!tpu.dma_semaphore, #tpu.memory_space<semaphore_mem>>)
    %mul3A_10 = arith.constant 4 : i32
    %mul3A_11 = arith.muli %add3A, %mul3A_10 : i32
    %add3A_12 = arith.constant 1 : i32
    %add3A_13 = arith.addi %mul3A_11, %add3A_12 : i32
    %mul3A_14 = arith.constant 10000 : i32
    %mul3A_15 = arith.muli %add3A_13, %mul3A_14 : i32
    %dma_start3A_16 = tpu.memref_slice %arg2[%mul3A_15] : memref<1280000xf32, #tpu.memory_space<hbm>> -> memref<10000xf32, #tpu.memory_space<hbm>>
    %dma_start3A_17 = tpu.memref_slice %arg2[%mul3A_15] : memref<1280000xf32, #tpu.memory_space<hbm>> -> memref<10000xf32, #tpu.memory_space<hbm>>
    tpu.enqueue_dma source(%dma_start3A_17 : memref<10000xf32, #tpu.memory_space<hbm>>) target(%arg6 : memref<10000xf32, #tpu.memory_space<vmem>>) target_semaphore(%arg14 : memref<!tpu.dma_semaphore, #tpu.memory_space<semaphore_mem>>)
    %dma_start3A_18 = tpu.memref_slice %arg3[%mul3A_15] : memref<1280000xf32, #tpu.memory_space<hbm>> -> memref<10000xf32, #tpu.memory_space<hbm>>
    %dma_start3A_19 = tpu.memref_slice %arg3[%mul3A_15] : memref<1280000xf32, #tpu.memory_space<hbm>> -> memref<10000xf32, #tpu.memory_space<hbm>>
    tpu.enqueue_dma source(%dma_start3A_19 : memref<10000xf32, #tpu.memory_space<hbm>>) target(%arg10 : memref<10000xf32, #tpu.memory_space<vmem>>) target_semaphore(%arg18 : memref<!tpu.dma_semaphore, #tpu.memory_space<semaphore_mem>>)
    %mul3A_20 = arith.constant 4 : i32
    %mul3A_21 = arith.muli %add3A, %mul3A_20 : i32
    %add3A_22 = arith.constant 2 : i32
    %add3A_23 = arith.addi %mul3A_21, %add3A_22 : i32
    %mul3A_24 = arith.constant 10000 : i32
    %mul3A_25 = arith.muli %add3A_23, %mul3A_24 : i32
    %dma_start3A_26 = tpu.memref_slice %arg2[%mul3A_25] : memref<1280000xf32, #tpu.memory_space<hbm>> -> memref<10000xf32, #tpu.memory_space<hbm>>
    %dma_start3A_27 = tpu.memref_slice %arg2[%mul3A_25] : memref<1280000xf32, #tpu.memory_space<hbm>> -> memref<10000xf32, #tpu.memory_space<hbm>>
    tpu.enqueue_dma source(%dma_start3A_27 : memref<10000xf32, #tpu.memory_space<hbm>>) target(%arg7 : memref<10000xf32, #tpu.memory_space<vmem>>) target_semaphore(%arg15 : memref<!tpu.dma_semaphore, #tpu.memory_space<semaphore_mem>>)
    %dma_start3A_28 = tpu.memref_slice %arg3[%mul3A_25] : memref<1280000xf32, #tpu.memory_space<hbm>> -> memref<10000xf32, #tpu.memory_space<hbm>>
    %dma_start3A_29 = tpu.memref_slice %arg3[%mul3A_25] : memref<1280000xf32, #tpu.memory_space<hbm>> -> memref<10000xf32, #tpu.memory_space<hbm>>
    tpu.enqueue_dma source(%dma_start3A_29 : memref<10000xf32, #tpu.memory_space<hbm>>) target(%arg11 : memref<10000xf32, #tpu.memory_space<vmem>>) target_semaphore(%arg19 : memref<!tpu.dma_semaphore, #tpu.memory_space<semaphore_mem>>)
    %mul3A_30 = arith.constant 4 : i32
    %mul3A_31 = arith.muli %add3A, %mul3A_30 : i32
    %add3A_32 = arith.constant 3 : i32
    %add3A_33 = arith.addi %mul3A_31, %add3A_32 : i32
    %mul3A_34 = arith.constant 10000 : i32
    %mul3A_35 = arith.muli %add3A_33, %mul3A_34 : i32
    %dma_start3A_36 = tpu.memref_slice %arg2[%mul3A_35] : memref<1280000xf32, #tpu.memory_space<hbm>> -> memref<10000xf32, #tpu.memory_space<hbm>>
    %dma_start3A_37 = tpu.memref_slice %arg2[%mul3A_35] : memref<1280000xf32, #tpu.memory_space<hbm>> -> memref<10000xf32, #tpu.memory_space<hbm>>
    tpu.enqueue_dma source(%dma_start3A_37 : memref<10000xf32, #tpu.memory_space<hbm>>) target(%arg8 : memref<10000xf32, #tpu.memory_space<vmem>>) target_semaphore(%arg16 : memref<!tpu.dma_semaphore, #tpu.memory_space<semaphore_mem>>)
    %dma_start3A_38 = tpu.memref_slice %arg3[%mul3A_35] : memref<1280000xf32, #tpu.memory_space<hbm>> -> memref<10000xf32, #tpu.memory_space<hbm>>
    %dma_start3A_39 = tpu.memref_slice %arg3[%mul3A_35] : memref<1280000xf32, #tpu.memory_space<hbm>> -> memref<10000xf32, #tpu.memory_space<hbm>>
    tpu.enqueue_dma source(%dma_start3A_39 : memref<10000xf32, #tpu.memory_space<hbm>>) target(%arg12 : memref<10000xf32, #tpu.memory_space<vmem>>) target_semaphore(%arg20 : memref<!tpu.dma_semaphore, #tpu.memory_space<semaphore_mem>>)
    %dma_wait3A = tpu.memref_slice %arg2[%mul3A_6] : memref<1280000xf32, #tpu.memory_space<hbm>> -> memref<10000xf32, #tpu.memory_space<hbm>>
    %dma_wait3A_40 = tpu.memref_slice %arg2[%mul3A_6] : memref<1280000xf32, #tpu.memory_space<hbm>> -> memref<10000xf32, #tpu.memory_space<hbm>>
    tpu.wait_dma2 semaphore(%arg13 : memref<!tpu.dma_semaphore, #tpu.memory_space<semaphore_mem>>) src(%dma_wait3A_40 : memref<10000xf32, #tpu.memory_space<hbm>>) dst(%arg5 : memref<10000xf32, #tpu.memory_space<vmem>>)
    %dma_wait3A_41 = tpu.memref_slice %arg3[%mul3A_6] : memref<1280000xf32, #tpu.memory_space<hbm>> -> memref<10000xf32, #tpu.memory_space<hbm>>
    %dma_wait3A_42 = tpu.memref_slice %arg3[%mul3A_6] : memref<1280000xf32, #tpu.memory_space<hbm>> -> memref<10000xf32, #tpu.memory_space<hbm>>
    tpu.wait_dma2 semaphore(%arg17 : memref<!tpu.dma_semaphore, #tpu.memory_space<semaphore_mem>>) src(%dma_wait3A_42 : memref<10000xf32, #tpu.memory_space<hbm>>) dst(%arg9 : memref<10000xf32, #tpu.memory_space<vmem>>)
    %parallel_loop3A = arith.constant 0 : i32
    %parallel_loop3A_43 = arith.constant 10000 : i32
    %parallel_loop3A_44 = arith.constant 16 : i32
    scf.for %parallel_loop3A_106 = %parallel_loop3A to %parallel_loop3A_43 step %parallel_loop3A_44  : i32 {
      %parallel_loop3A_107 = arith.index_cast %parallel_loop3A_106 : i32 to index
      %parallel_loop3A_108 = tpu.vector_load %arg9[%parallel_loop3A_107] {strides = array<i32>} : memref<10000xf32, #tpu.memory_space<vmem>>, vector<16xf32>,
      %parallel_loop3A_109 = vector.shape_cast %parallel_loop3A_108 : vector<16xf32> to vector<16xf32>
      %parallel_loop3A_110 = arith.index_cast %parallel_loop3A_106 : i32 to index
      %parallel_loop3A_111 = tpu.vector_load %arg5[%parallel_loop3A_110] {strides = array<i32>} : memref<10000xf32, #tpu.memory_space<vmem>>, vector<16xf32>,
      %parallel_loop3A_112 = vector.shape_cast %parallel_loop3A_111 : vector<16xf32> to vector<16xf32>
      %parallel_loop3A_113 = vector.shape_cast %parallel_loop3A_109 : vector<16xf32> to vector<16xf32>
      tpu.vector_store %arg5[%parallel_loop3A_110], %parallel_loop3A_113 {add = true, strides = array<i32>} : memref<10000xf32, #tpu.memory_space<vmem>>, vector<16xf32>,
    } {sc.loop_unroll_factor = 5 : i64, sc.parallel_access}
    %mul3A_45 = arith.constant 4 : i32
    %mul3A_46 = arith.muli %add3A, %mul3A_45 : i32
    %add3A_47 = arith.constant 0 : i32
    %add3A_48 = arith.addi %mul3A_46, %add3A_47 : i32
    %mul3A_49 = arith.constant 10000 : i32
    %mul3A_50 = arith.muli %add3A_48, %mul3A_49 : i32
    %dma_start3A_51 = tpu.memref_slice %arg4[%mul3A_50] : memref<1280000xf32, #tpu.memory_space<hbm>> -> memref<10000xf32, #tpu.memory_space<hbm>>
    %dma_start3A_52 = tpu.memref_slice %arg4[%mul3A_50] : memref<1280000xf32, #tpu.memory_space<hbm>> -> memref<10000xf32, #tpu.memory_space<hbm>>
    tpu.enqueue_dma source(%arg5 : memref<10000xf32, #tpu.memory_space<vmem>>) target(%dma_start3A_52 : memref<10000xf32, #tpu.memory_space<hbm>>) target_semaphore(%arg21 : memref<!tpu.dma_semaphore, #tpu.memory_space<semaphore_mem>>)
    %dma_wait3A_53 = tpu.memref_slice %arg2[%mul3A_15] : memref<1280000xf32, #tpu.memory_space<hbm>> -> memref<10000xf32, #tpu.memory_space<hbm>>
    %dma_wait3A_54 = tpu.memref_slice %arg2[%mul3A_15] : memref<1280000xf32, #tpu.memory_space<hbm>> -> memref<10000xf32, #tpu.memory_space<hbm>>
    tpu.wait_dma2 semaphore(%arg14 : memref<!tpu.dma_semaphore, #tpu.memory_space<semaphore_mem>>) src(%dma_wait3A_54 : memref<10000xf32, #tpu.memory_space<hbm>>) dst(%arg6 : memref<10000xf32, #tpu.memory_space<vmem>>)
    %dma_wait3A_55 = tpu.memref_slice %arg3[%mul3A_15] : memref<1280000xf32, #tpu.memory_space<hbm>> -> memref<10000xf32, #tpu.memory_space<hbm>>
    %dma_wait3A_56 = tpu.memref_slice %arg3[%mul3A_15] : memref<1280000xf32, #tpu.memory_space<hbm>> -> memref<10000xf32, #tpu.memory_space<hbm>>
    tpu.wait_dma2 semaphore(%arg18 : memref<!tpu.dma_semaphore, #tpu.memory_space<semaphore_mem>>) src(%dma_wait3A_56 : memref<10000xf32, #tpu.memory_space<hbm>>) dst(%arg10 : memref<10000xf32, #tpu.memory_space<vmem>>)
    %parallel_loop3A_57 = arith.constant 0 : i32
    %parallel_loop3A_58 = arith.constant 10000 : i32
    %parallel_loop3A_59 = arith.constant 16 : i32
    scf.for %parallel_loop3A_106 = %parallel_loop3A_57 to %parallel_loop3A_58 step %parallel_loop3A_59  : i32 {
      %parallel_loop3A_107 = arith.index_cast %parallel_loop3A_106 : i32 to index
      %parallel_loop3A_108 = tpu.vector_load %arg10[%parallel_loop3A_107] {strides = array<i32>} : memref<10000xf32, #tpu.memory_space<vmem>>, vector<16xf32>,
      %parallel_loop3A_109 = vector.shape_cast %parallel_loop3A_108 : vector<16xf32> to vector<16xf32>
      %parallel_loop3A_110 = arith.index_cast %parallel_loop3A_106 : i32 to index
      %parallel_loop3A_111 = tpu.vector_load %arg6[%parallel_loop3A_110] {strides = array<i32>} : memref<10000xf32, #tpu.memory_space<vmem>>, vector<16xf32>,
      %parallel_loop3A_112 = vector.shape_cast %parallel_loop3A_111 : vector<16xf32> to vector<16xf32>
      %parallel_loop3A_113 = vector.shape_cast %parallel_loop3A_109 : vector<16xf32> to vector<16xf32>
      tpu.vector_store %arg6[%parallel_loop3A_110], %parallel_loop3A_113 {add = true, strides = array<i32>} : memref<10000xf32, #tpu.memory_space<vmem>>, vector<16xf32>,
    } {sc.loop_unroll_factor = 5 : i64, sc.parallel_access}
    %mul3A_60 = arith.constant 4 : i32
    %mul3A_61 = arith.muli %add3A, %mul3A_60 : i32
    %add3A_62 = arith.constant 1 : i32
    %add3A_63 = arith.addi %mul3A_61, %add3A_62 : i32
    %mul3A_64 = arith.constant 10000 : i32
    %mul3A_65 = arith.muli %add3A_63, %mul3A_64 : i32
    %dma_start3A_66 = tpu.memref_slice %arg4[%mul3A_65] : memref<1280000xf32, #tpu.memory_space<hbm>> -> memref<10000xf32, #tpu.memory_space<hbm>>
    %dma_start3A_67 = tpu.memref_slice %arg4[%mul3A_65] : memref<1280000xf32, #tpu.memory_space<hbm>> -> memref<10000xf32, #tpu.memory_space<hbm>>
    tpu.enqueue_dma source(%arg6 : memref<10000xf32, #tpu.memory_space<vmem>>) target(%dma_start3A_67 : memref<10000xf32, #tpu.memory_space<hbm>>) target_semaphore(%arg22 : memref<!tpu.dma_semaphore, #tpu.memory_space<semaphore_mem>>)
    %dma_wait3A_68 = tpu.memref_slice %arg2[%mul3A_25] : memref<1280000xf32, #tpu.memory_space<hbm>> -> memref<10000xf32, #tpu.memory_space<hbm>>
    %dma_wait3A_69 = tpu.memref_slice %arg2[%mul3A_25] : memref<1280000xf32, #tpu.memory_space<hbm>> -> memref<10000xf32, #tpu.memory_space<hbm>>
    tpu.wait_dma2 semaphore(%arg15 : memref<!tpu.dma_semaphore, #tpu.memory_space<semaphore_mem>>) src(%dma_wait3A_69 : memref<10000xf32, #tpu.memory_space<hbm>>) dst(%arg7 : memref<10000xf32, #tpu.memory_space<vmem>>)
    %dma_wait3A_70 = tpu.memref_slice %arg3[%mul3A_25] : memref<1280000xf32, #tpu.memory_space<hbm>> -> memref<10000xf32, #tpu.memory_space<hbm>>
    %dma_wait3A_71 = tpu.memref_slice %arg3[%mul3A_25] : memref<1280000xf32, #tpu.memory_space<hbm>> -> memref<10000xf32, #tpu.memory_space<hbm>>
    tpu.wait_dma2 semaphore(%arg19 : memref<!tpu.dma_semaphore, #tpu.memory_space<semaphore_mem>>) src(%dma_wait3A_71 : memref<10000xf32, #tpu.memory_space<hbm>>) dst(%arg11 : memref<10000xf32, #tpu.memory_space<vmem>>)
    %parallel_loop3A_72 = arith.constant 0 : i32
    %parallel_loop3A_73 = arith.constant 10000 : i32
    %parallel_loop3A_74 = arith.constant 16 : i32
    scf.for %parallel_loop3A_106 = %parallel_loop3A_72 to %parallel_loop3A_73 step %parallel_loop3A_74  : i32 {
      %parallel_loop3A_107 = arith.index_cast %parallel_loop3A_106 : i32 to index
      %parallel_loop3A_108 = tpu.vector_load %arg11[%parallel_loop3A_107] {strides = array<i32>} : memref<10000xf32, #tpu.memory_space<vmem>>, vector<16xf32>,
      %parallel_loop3A_109 = vector.shape_cast %parallel_loop3A_108 : vector<16xf32> to vector<16xf32>
      %parallel_loop3A_110 = arith.index_cast %parallel_loop3A_106 : i32 to index
      %parallel_loop3A_111 = tpu.vector_load %arg7[%parallel_loop3A_110] {strides = array<i32>} : memref<10000xf32, #tpu.memory_space<vmem>>, vector<16xf32>,
      %parallel_loop3A_112 = vector.shape_cast %parallel_loop3A_111 : vector<16xf32> to vector<16xf32>
      %parallel_loop3A_113 = vector.shape_cast %parallel_loop3A_109 : vector<16xf32> to vector<16xf32>
      tpu.vector_store %arg7[%parallel_loop3A_110], %parallel_loop3A_113 {add = true, strides = array<i32>} : memref<10000xf32, #tpu.memory_space<vmem>>, vector<16xf32>,
    } {sc.loop_unroll_factor = 5 : i64, sc.parallel_access}
    %mul3A_75 = arith.constant 4 : i32
    %mul3A_76 = arith.muli %add3A, %mul3A_75 : i32
    %add3A_77 = arith.constant 2 : i32
    %add3A_78 = arith.addi %mul3A_76, %add3A_77 : i32
    %mul3A_79 = arith.constant 10000 : i32
    %mul3A_80 = arith.muli %add3A_78, %mul3A_79 : i32
    %dma_start3A_81 = tpu.memref_slice %arg4[%mul3A_80] : memref<1280000xf32, #tpu.memory_space<hbm>> -> memref<10000xf32, #tpu.memory_space<hbm>>
    %dma_start3A_82 = tpu.memref_slice %arg4[%mul3A_80] : memref<1280000xf32, #tpu.memory_space<hbm>> -> memref<10000xf32, #tpu.memory_space<hbm>>
    tpu.enqueue_dma source(%arg7 : memref<10000xf32, #tpu.memory_space<vmem>>) target(%dma_start3A_82 : memref<10000xf32, #tpu.memory_space<hbm>>) target_semaphore(%arg23 : memref<!tpu.dma_semaphore, #tpu.memory_space<semaphore_mem>>)
    %dma_wait3A_83 = tpu.memref_slice %arg2[%mul3A_35] : memref<1280000xf32, #tpu.memory_space<hbm>> -> memref<10000xf32, #tpu.memory_space<hbm>>
    %dma_wait3A_84 = tpu.memref_slice %arg2[%mul3A_35] : memref<1280000xf32, #tpu.memory_space<hbm>> -> memref<10000xf32, #tpu.memory_space<hbm>>
    tpu.wait_dma2 semaphore(%arg16 : memref<!tpu.dma_semaphore, #tpu.memory_space<semaphore_mem>>) src(%dma_wait3A_84 : memref<10000xf32, #tpu.memory_space<hbm>>) dst(%arg8 : memref<10000xf32, #tpu.memory_space<vmem>>)
    %dma_wait3A_85 = tpu.memref_slice %arg3[%mul3A_35] : memref<1280000xf32, #tpu.memory_space<hbm>> -> memref<10000xf32, #tpu.memory_space<hbm>>
    %dma_wait3A_86 = tpu.memref_slice %arg3[%mul3A_35] : memref<1280000xf32, #tpu.memory_space<hbm>> -> memref<10000xf32, #tpu.memory_space<hbm>>
    tpu.wait_dma2 semaphore(%arg20 : memref<!tpu.dma_semaphore, #tpu.memory_space<semaphore_mem>>) src(%dma_wait3A_86 : memref<10000xf32, #tpu.memory_space<hbm>>) dst(%arg12 : memref<10000xf32, #tpu.memory_space<vmem>>)
    %parallel_loop3A_87 = arith.constant 0 : i32
    %parallel_loop3A_88 = arith.constant 10000 : i32
    %parallel_loop3A_89 = arith.constant 16 : i32
    scf.for %parallel_loop3A_106 = %parallel_loop3A_87 to %parallel_loop3A_88 step %parallel_loop3A_89  : i32 {
      %parallel_loop3A_107 = arith.index_cast %parallel_loop3A_106 : i32 to index
      %parallel_loop3A_108 = tpu.vector_load %arg12[%parallel_loop3A_107] {strides = array<i32>} : memref<10000xf32, #tpu.memory_space<vmem>>, vector<16xf32>,
      %parallel_loop3A_109 = vector.shape_cast %parallel_loop3A_108 : vector<16xf32> to vector<16xf32>
      %parallel_loop3A_110 = arith.index_cast %parallel_loop3A_106 : i32 to index
      %parallel_loop3A_111 = tpu.vector_load %arg8[%parallel_loop3A_110] {strides = array<i32>} : memref<10000xf32, #tpu.memory_space<vmem>>, vector<16xf32>,
      %parallel_loop3A_112 = vector.shape_cast %parallel_loop3A_111 : vector<16xf32> to vector<16xf32>
      %parallel_loop3A_113 = vector.shape_cast %parallel_loop3A_109 : vector<16xf32> to vector<16xf32>
      tpu.vector_store %arg8[%parallel_loop3A_110], %parallel_loop3A_113 {add = true, strides = array<i32>} : memref<10000xf32, #tpu.memory_space<vmem>>, vector<16xf32>,
    } {sc.loop_unroll_factor = 5 : i64, sc.parallel_access}
    %mul3A_90 = arith.constant 4 : i32
    %mul3A_91 = arith.muli %add3A, %mul3A_90 : i32
    %add3A_92 = arith.constant 3 : i32
    %add3A_93 = arith.addi %mul3A_91, %add3A_92 : i32
    %mul3A_94 = arith.constant 10000 : i32
    %mul3A_95 = arith.muli %add3A_93, %mul3A_94 : i32
    %dma_start3A_96 = tpu.memref_slice %arg4[%mul3A_95] : memref<1280000xf32, #tpu.memory_space<hbm>> -> memref<10000xf32, #tpu.memory_space<hbm>>
    %dma_start3A_97 = tpu.memref_slice %arg4[%mul3A_95] : memref<1280000xf32, #tpu.memory_space<hbm>> -> memref<10000xf32, #tpu.memory_space<hbm>>
    tpu.enqueue_dma source(%arg8 : memref<10000xf32, #tpu.memory_space<vmem>>) target(%dma_start3A_97 : memref<10000xf32, #tpu.memory_space<hbm>>) target_semaphore(%arg24 : memref<!tpu.dma_semaphore, #tpu.memory_space<semaphore_mem>>)
    %dma_wait3A_98 = tpu.memref_slice %arg4[%mul3A_50] : memref<1280000xf32, #tpu.memory_space<hbm>> -> memref<10000xf32, #tpu.memory_space<hbm>>
    %dma_wait3A_99 = tpu.memref_slice %arg4[%mul3A_50] : memref<1280000xf32, #tpu.memory_space<hbm>> -> memref<10000xf32, #tpu.memory_space<hbm>>
    tpu.wait_dma2 semaphore(%arg21 : memref<!tpu.dma_semaphore, #tpu.memory_space<semaphore_mem>>) src(%arg5 : memref<10000xf32, #tpu.memory_space<vmem>>) dst(%dma_wait3A_99 : memref<10000xf32, #tpu.memory_space<hbm>>)
    %dma_wait3A_100 = tpu.memref_slice %arg4[%mul3A_65] : memref<1280000xf32, #tpu.memory_space<hbm>> -> memref<10000xf32, #tpu.memory_space<hbm>>
    %dma_wait3A_101 = tpu.memref_slice %arg4[%mul3A_65] : memref<1280000xf32, #tpu.memory_space<hbm>> -> memref<10000xf32, #tpu.memory_space<hbm>>
    tpu.wait_dma2 semaphore(%arg22 : memref<!tpu.dma_semaphore, #tpu.memory_space<semaphore_mem>>) src(%arg6 : memref<10000xf32, #tpu.memory_space<vmem>>) dst(%dma_wait3A_101 : memref<10000xf32, #tpu.memory_space<hbm>>)
    %dma_wait3A_102 = tpu.memref_slice %arg4[%mul3A_80] : memref<1280000xf32, #tpu.memory_space<hbm>> -> memref<10000xf32, #tpu.memory_space<hbm>>
    %dma_wait3A_103 = tpu.memref_slice %arg4[%mul3A_80] : memref<1280000xf32, #tpu.memory_space<hbm>> -> memref<10000xf32, #tpu.memory_space<hbm>>
    tpu.wait_dma2 semaphore(%arg23 : memref<!tpu.dma_semaphore, #tpu.memory_space<semaphore_mem>>) src(%arg7 : memref<10000xf32, #tpu.memory_space<vmem>>) dst(%dma_wait3A_103 : memref<10000xf32, #tpu.memory_space<hbm>>)
    %dma_wait3A_104 = tpu.memref_slice %arg4[%mul3A_95] : memref<1280000xf32, #tpu.memory_space<hbm>> -> memref<10000xf32, #tpu.memory_space<hbm>>
    %dma_wait3A_105 = tpu.memref_slice %arg4[%mul3A_95] : memref<1280000xf32, #tpu.memory_space<hbm>> -> memref<10000xf32, #tpu.memory_space<hbm>>
    tpu.wait_dma2 semaphore(%arg24 : memref<!tpu.dma_semaphore, #tpu.memory_space<semaphore_mem>>) src(%arg8 : memref<10000xf32, #tpu.memory_space<vmem>>) dst(%dma_wait3A_105 : memref<10000xf32, #tpu.memory_space<hbm>>)
    return
  }
}

</mosaic_0001>

<sc_bundles>
// kernel: kernel.3.cloned.1.call-start
scs
__scs_entry_jumppad:
0x0: {  	(pc) =	sbr.rel $0x88, $3  }
0x1: {  	(tag) =	ssettag $0x0;
	lr =	simm.s32 $0x1  }
0x2: {  	[smem:$0x3F9F] =	sst lr;
	_ =	strace $0xD0000000  }
0x3: {  	_ = 	snop  }
0x4: {  	_ = 	snop  }
0x5: {  	_ = 	snop  }
0x6: {  	_ = 	snop  }
0x7: {  	_ = 	snop  }
__scs_overlays_trampoline_lowered:
0x8: {  	[smem:$0x3FAE] =	sst s0  }
0x9: {  	[smem:$0x3FAF] =	sst s1  }
0xa: {  	[smem:$0x3FB0] =	sst s2  }
0xb: {  	[smem:$0x3FB1] =	sst s3  }
0xc: {  	[smem:$0x3FB2] =	sst s4  }
0xd: {  	[smem:$0x3FB3] =	sst s5  }
0xe: {  	[smem:$0x3FB4] =	sst s6  }
0xf: {  	[smem:$0x3FB5] =	sst s7  }
0x10: {  	[smem:$0x3FB6] =	sst s8  }
0x11: {  	[smem:$0x3FB7] =	sst s9;
	s0 =	simm.s32 @!p0 $0x0  }
0x12: {  	s1 =	sld [smem:$0x3F9D];
	s0 =	simm.s32 @p0 $0x1  }
0x13: {  	[smem:$0x3FB8] =	sst s0;
	s0 =	simm.s32 @!p1 $0x0  }
0x14: {  	s2 =	sld [smem:$0x3F9C];
	s0 =	simm.s32 @p1 $0x1  }
0x15: {  	[smem:$0x3FB9] =	sst s0;
	s0 =	simm.s32 @!p2 $0x0  }
0x16: {  	s3 =	sld [smem:$0x3FDB];
	s0 =	simm.s32 @p2 $0x1  }
0x17: {  	s4 =	simm.s32 $0x1BF5;
	[smem:$0x3FBB] =	sst s0  }
0x18: {  	s0 =	sld [smem:$0x3F9E];
	_ =	swait.ge [sflag:s4], $0x0  }
0x19: {  	s7 =	sld [smem:$0x3F9F]  }
0x1a: {  	s8 =	sadd.s32 $0xFFFFE003, lr  }
0x1b: {  	s9 =	sadd.s32 $0xFFFFFEF7, lr;
	s5 =	simm.s32 $0xFFFFFFFF;
	p2 =	slt.u32 s8, $0xFFFFF086  }
0x1c: {  	p1 =	slt.u32 s9, $0xF7A;
	s5 =	simm.s32 @!p2 $0x0  }
0x1d: {  	s5 =	simm.s32 @p1 $0x1;
	p0 =	seq.s32 s7, s2  }
0x1e: {  	s7 =	smul.u32 @!p0 $0xF7A, s2;
	p2 =	seq.s32 @!p0 s5, $0x0  }
0x1f: {  	s9 =	smul.u32 $0xF7A, s1;
	s8 =	simm.s32 @!p0 $0x1BF5;
	p2 =	por !p2, p0  }
0x20: {  	[sflag:s8] =	ssyncset.s32 @!p0 $0xFFFFF086;
	s6 =	sadd.s32 @!p0 s3, s7;
	s7 =	simm.s32 @!p0 $0x108  }
0x21: {  	s3 =	sadd.s32 s3, s9;
	s6 =	sadd.s32 @!p0 $0x88, s6;
	s7 =	simm.s32 @p2 $0x1082  }
0x22: {  	[simem:s7], [sflag:s8] =	dma.local @!p0 [hbm:s6], $0xF7A  }
0x23: {  	s9 =	sor.u32 $0xD0000000, s2;
	s6 =	simm.s32 $0x108;
	_ =	swait.ge @!p0 [sflag:s8], $0x0  }
0x24: {  	s3 =	sadd.s32 $0x88, s3;
	s6 =	simm.s32 @!p1 $0x1082;
	[sflag:s4] =	ssyncset.s32 $0xFFFFF086  }
0x25: {  	[simem:s6], [sflag:s4] =	dma.local [hbm:s3], $0xF7A  }
0x26: {  	[smem:$0x3F9F] =	sst s1;
	(tag) =	ssettag s2;
	_ =	strace s9  }
0x27: {  	s1 =	sld [smem:$0x3FAF]  }
0x28: {  	s2 =	sld [smem:$0x3FB0]  }
0x29: {  	s4 =	sld [smem:$0x3FB2]  }
0x2a: {  	p0 =	seq.s32 s5, $0x0;
	s5 =	sld [smem:$0x3FB3]  }
0x2b: {  	s6 =	sld [smem:$0x3FB4]  }
0x2c: {  	s7 =	sld [smem:$0x3FB5]  }
0x2d: {  	s3 =	simm.s32 $0x108;
	s8 =	sld [smem:$0x3FB6]  }
0x2e: {  	s3 =	simm.s32 @!p0 $0x1082;
	s9 =	sld [smem:$0x3FB7]  }
0x2f: {  	lr =	sadd.s32 s0, s3;
	s0 =	sld [smem:$0x3FAE]  }
0x30: {  	s3 =	sld [smem:$0x3FB1]  }
0x31: {  	[smem:$0x3FBA] =	sst s10  }
0x32: {  	s10 =	sld [smem:$0x3FB8];
	_ =	sdelay $0x3  }
0x33: {  	p0 =	seq.s32 s10, $0x1;
	s10 =	sld [smem:$0x3FBA];
	_ =	sdelay $0x3  }
0x34: {  	[smem:$0x3FBA] =	sst s10  }
0x35: {  	s10 =	sld [smem:$0x3FB9];
	_ =	sdelay $0x3  }
0x36: {  	p1 =	seq.s32 s10, $0x1;
	s10 =	sld [smem:$0x3FBA];
	_ =	sdelay $0x3  }
0x37: {  	[smem:$0x3FBA] =	sst s10  }
0x38: {  	s10 =	sld [smem:$0x3FBB]  }
0x39: {  	_ = 	snop;
	(pc) =	sbr.ind lr, $3  }
0x3a: {  	_ = 	snop  }
0x3b: {  	_ = 	snop  }
0x3c: {  	p2 =	seq.s32 s10, $0x1;
	s10 =	sld [smem:$0x3FBA]  }
0x3d: {  	_ =	shalt  }
0x3e: {  	_ =	shalt  }
0x3f: {  	_ =	shalt  }
0x40: {  	_ =	shalt  }
0x41: {  	_ =	shalt  }
0x42: {  	_ =	shalt  }
0x43: {  	_ =	shalt  }
0x44: {  	_ =	shalt  }
0x45: {  	_ =	shalt  }
0x46: {  	_ =	shalt  }
0x47: {  	_ =	shalt  }
0x48: {  	_ =	shalt  }
0x49: {  	_ =	shalt  }
0x4a: {  	_ =	shalt  }
0x4b: {  	_ =	shalt  }
0x4c: {  	_ =	shalt  }
0x4d: {  	_ =	shalt  }
0x4e: {  	_ =	shalt  }
0x4f: {  	_ =	shalt  }
0x50: {  	_ =	shalt  }
0x51: {  	_ =	shalt  }
0x52: {  	_ =	shalt  }
0x53: {  	_ =	shalt  }
0x54: {  	_ =	shalt  }
0x55: {  	_ =	shalt  }
0x56: {  	_ =	shalt  }
0x57: {  	_ =	shalt  }
0x58: {  	_ =	shalt  }
0x59: {  	_ =	shalt  }
0x5a: {  	_ =	shalt  }
0x5b: {  	_ =	shalt  }
0x5c: {  	_ =	shalt  }
0x5d: {  	_ =	shalt  }
0x5e: {  	_ =	shalt  }
0x5f: {  	_ =	shalt  }
0x60: {  	_ =	shalt  }
0x61: {  	_ =	shalt  }
0x62: {  	_ =	shalt  }
0x63: {  	_ =	shalt  }
0x64: {  	_ =	shalt  }
0x65: {  	_ =	shalt  }
0x66: {  	_ =	shalt  }
0x67: {  	_ =	shalt  }
0x68: {  	_ =	shalt  }
0x69: {  	_ =	shalt  }
0x6a: {  	_ =	shalt  }
0x6b: {  	_ =	shalt  }
0x6c: {  	_ =	shalt  }
0x6d: {  	_ =	shalt  }
0x6e: {  	_ =	shalt  }
0x6f: {  	_ =	shalt  }
0x70: {  	_ =	shalt  }
0x71: {  	_ =	shalt  }
0x72: {  	_ =	shalt  }
0x73: {  	_ =	shalt  }
0x74: {  	_ =	shalt  }
0x75: {  	_ =	shalt  }
0x76: {  	_ =	shalt  }
0x77: {  	_ =	shalt  }
0x78: {  	_ =	shalt  }
0x79: {  	_ =	shalt  }
0x7a: {  	_ =	shalt  }
0x7b: {  	_ =	shalt  }
0x7c: {  	_ =	shalt  }
0x7d: {  	_ =	shalt  }
0x7e: {  	_ =	shalt  }
0x7f: {  	_ =	shalt  }
0x80: {  	_ =	shalt  }
0x81: {  	_ =	shalt  }
0x82: {  	_ =	shalt  }
0x83: {  	_ =	shalt  }
0x84: {  	_ =	shalt  }
0x85: {  	_ =	shalt  }
0x86: {  	_ =	shalt  }
0x87: {  	_ =	shalt  }
.Lfunc_end0:
.L_simem_size_0:
called_computation_lowered:
.L_overlay_start_0:
0x88: {  	s2 =	sld [smem:$0x3FD9]  }
0x89: {  	s3 =	sld [smem:$0x3FFE];
	_ =	sdelay $0x1  }
0x8a: {  	s1 =	srdreg.scid  }
0x8b: {  	s0 =	sand.u32 $0x1, s1  }
0x8c: {  	s18 =	sshll.u32 s0, $0xA;
	s2 =	sadd.s32 s3, s2  }
0x8d: {  	s2 =	sadd.s32 s2, s18  }
0x8e: {  	[smem:$0x3FC6] =	sst s2  }
0x8f: {  	_ = 	snop  }
0x90: {  	s2 =	sld [smem:$0x3FC9]  }
0x91: {  	s19 =	sld [smem:$0x3FC8]  }
0x92: {  	s4 =	sld [smem:$0x3FD0];
	(tm) =	ssettm $0x1  }
0x93: {  	s5 =	sld [smem:$0x3FFB];
	_ =	sdelay $0x3  }
0x94: {  	_ =	strace s5  }
0x95: {  	s5 =	sld [smem:$0x3FFC];
	_ =	sdelay $0x3  }
0x96: {  	_ =	strace s5  }
0x97: {  	s5 =	sld [smem:$0x3FFD];
	_ =	sdelay $0x3  }
0x98: {  	_ =	strace s5  }
0x99: {  	_ =	strace $0x8FFFFFFF  }
0x9a: {  	s20 =	sld [smem:$0x3FDB];
	_ =	sdelay $0x1  }
0x9b: {  	s6 =	simm.s32 $_scs_section_size  }
0x9c: {  	s7 =	simm.s32 $_size__tile_overlayer_lowered;
	s8 =	simm.s32 $_tile_overlayer_lowered  }
0x9d: {  	s23 =	simm.s32 $0x1BFF;
	s22 =	sshll.u32 s8, $0x1;
	s5 =	sadd.s32 s6, s20  }
0x9e: {  	s9 =	simm.s32 $0x0;
	s21 =	sshll.u32 s7, $0x1;
	s7 =	sadd.s32 s22, s5  }
0x9f: {  	[timem:s9], [sflag:s23] =	dma.local [hbm:s7], s21  }
0xa0: {  	_ =	swait.ge [sflag:s23], s21  }
0xa1: {  	s6 =	ssub.s32 $0x0, s21;
	[sflag:s23] =	ssyncset.done $0x0  }
0xa2: {  	[sflag:s23] =	ssyncadd.s32 s6;
	_ =	sdelay $0x1  }
0xa3: {  	s24 =	simm.s32 $0x1B8B  }
0xa4: {  	_ =	swait.ge [sflag:s24], $0x1  }
0xa5: {  	[sflag:s24] =	ssyncset.done $0x0  }
0xa6: {  	s25 =	simm.s32 $0x1B8E;
	[sflag:s24] =	ssyncadd.s32 $0xFFFFFFFF  }
0xa7: {  	s26 =	simm.s32 $execute0_lowered;
	[smem:$0x3FD2] =	sst s25  }
0xa8: {  	s6 =	sshll.u32 s26, $0x1;
	_ =	strace $0x80000046;
	[dreg:$0x1] =	wrdreg $0xFFFFFFFF  }
0xa9: {  	s28 =	simm.s32 $_size_execute0_lowered;
	s5 =	sadd.s32 s5, s6;
	[dreg:$0x0] =	wrdreg $0x0  }
0xaa: {  	s6 =	sshll.u32 s28, $0x1;
	[dreg:$0x2] =	wrdreg s5  }
0xab: {  	[dreg:$0x3] =	wrdreg s6  }
0xac: {  	[dreg:$0x4] =	wrdreg $0xC0  }
0xad: {  	_ =	task [dreg:s9], $0x5FFFF  }
0xae: {  	[dreg:$0x1] =	wrdreg $0xFFFFFFFF  }
0xaf: {  	[dreg:$0x0] =	wrdreg $0x60  }
0xb0: {  	[dreg:$0x2] =	wrdreg s2  }
0xb1: {  	[dreg:$0x3] =	wrdreg s19  }
0xb2: {  	[dreg:$0x4] =	wrdreg s4  }
0xb3: {  	[dreg:$0x5] =	wrdreg $0x9  }
0xb4: {  	_ =	task.clear_ibuf [dreg:s9], $0x6FFFF;
	_ =	strace $0x90000046  }
0xb5: {  	s29 =	simm.s32 $0x9;
	_ =	strace $0x80000048  }
0xb6: {  	_ =	swait.ge [sflag:s29], $0x1  }
0xb7: {  	[sflag:s29] =	ssyncadd.s32 $0xFFFFFFFF  }
0xb8: {  	_ =	strace $0x90000048  }
0xb9: {  	_ =	sfence  }
0xba: {  	s30 =	sld [smem:$0x0];
	_ =	sdelay $0x2  }
0xbb: {  	s31 =	sshll.u32 s1, $0xD;
	s1 =	sshrl.u32 s1, $0x2  }
0xbc: {  	s3 =	sand.u32 $0x4000, s31;
	s1 =	sadd.s32 s1, s30  }
0xbd: {  	s0 =	sor.u32 s3, s0;
	s1 =	sshll.u32 s1, $0x11  }
0xbe: {  	s0 =	sor.u32 s1, s0  }
0xbf: {  	s0 =	sadd.s32 $0x8F2B, s0  }
0xc0: {  	[sflag:s0] =	ssyncadd.remote.s32 $0x1  }
0xc1: {  	_ =	sfence.sel $0xFFFF  }
0xc2: {  	[dreg:$0x0] =	wrdreg $0xFFFFFFFF;
	(pc) =	sbr.abs _section_cstart, $3  }
0xc3: {  	[dreg:$0x1] =	wrdreg $0xFFFFFFFF  }
0xc4: {  	_ =	task.clear_ibuf [dreg:s9], $0x2FFFF;
	_ =	strace $0x9FFFFFFF  }
0xc5: {  	(tm) =	ssettm $0x7FFFFFFF  }
tec
execute0_lowered:
.L_overlay_start_1:
0x0: {  	(tag) =	ssettag $0x1  }
0x1: {  	s0 =	rddreg [dreg:$0x0]  }
0x2: {  	s1 =	rddreg [dreg:$0x1];
	s2 =	srdreg.scid  }
0x3: {  	s5 =	stileid.u32;
	s3 =	rddreg [dreg:$0x2];
	s17 =	simm.s32 $0x2780  }
0x4: {  	s19 =	simm.s32 $0x4F00;
	s21 =	simm.s32 $0x7680;
	s23 =	simm.s32 $0x1  }
0x5: {  	s24 =	simm.s32 $0x5;
	s28 =	simm.s32 $0x3;
	s29 =	simm.s32 $0x7  }
0x6: {  	s30 =	simm.s32 $0x4;
	s31 =	simm.s32 $0x8;
	s16 =	simm.s32 $0xB  }
0x7: {  	s18 =	simm.s32 $0xC;
	s4 =	sand.u32 $0x1, s2;
	s25 =	sshll.u32 s5, $0x1  }
0x8: {  	s20 =	simm.s32 $0x0;
	s2 =	simm.s32 $0x0;
	s5 =	sor.u32 s4, s25  }
0x9: {  	s4 =	ssub.s32 $0x2, s4;
	[smem:$0x7FF] =	sst s2;
	s11 =	smul.u32 $0x1388, s5  }
0xa: {  	s25 =	simm.s32 $0x2;
	s6 =	smul.u32 $0x9C40, s5;
	s7 =	sshrl.u32 s4, $0x1  }
0xb: {  	_ =	strace $0x80000047;
	s4 =	ssub.s32 s4, s7;
	s5 =	sadd.s32 s0, s11  }
0xc: {  	s9 =	sshrl.u32 s6, $0x3;
	s26 =	sadd.s32 s1, s11;
	[dreg:$0x4] =	wrdreg s5  }
0xd: {  	s11 =	sadd.s32 s3, s11;
	s15 =	smax.u32 s4, $0x1;
	[dreg:$0x5] =	wrdreg s26  }
0xe: {  	s12 =	sadd.s32 $0x4E2, s9;
	s13 =	sadd.s32 $0x9C4, s9;
	s14 =	sadd.s32 $0xEA6, s9  }
0xf: {  	s26 =	simm.s32 $0x6;
	s5 =	sadd.s32 s0, s12;
	s6 =	sadd.s32 s1, s12  }
0x10: {  	s7 =	sadd.s32 s0, s13;
	s8 =	sadd.s32 s1, s13;
	s9 =	sadd.s32 s0, s14  }
0x11: {  	s10 =	sadd.s32 s1, s14;
	s12 =	sadd.s32 s3, s12;
	s13 =	sadd.s32 s3, s13  }
0x12: {  	s14 =	sadd.s32 s3, s14;
	s1 =	simm.s32 $0x9;
	s0 =	simm.s32 $0xA  }
.LBB2_1:
0x13: {  	s3 =	rddreg [dreg:$0x4]  }
0x14: {  	[tilespmem:s2], [sflag:$0x1] =	stream.linear.gather [hbm4b:s3+s2], $0x2710, $0x38;
	[tilespmem:$0x13C00] =	vst v63  }
0x15: {  	s22 =	rddreg [dreg:$0x5];
	s4 =	simm.s32 $0x9E00  }
0x16: {  	[tilespmem:s4], [sflag:$0x5] =	stream.linear.gather [hbm4b:s22+s2], $0x2710, $0x38;
	[tilespmem:$0x13C00] =	vst v63  }
0x17: {  	_ = 	snop  }
0x18: {  	[tilespmem:s17], [sflag:$0x2] =	stream.linear.gather [hbm4b:s5+s2], $0x2710, $0x38;
	[tilespmem:$0x13C00] =	vst v63  }
0x19: {  	s4 =	simm.s32 $0xC580  }
0x1a: {  	[tilespmem:s4], [sflag:$0x6] =	stream.linear.gather [hbm4b:s6+s2], $0x2710, $0x38;
	[tilespmem:$0x13C00] =	vst v63  }
0x1b: {  	_ = 	snop  }
0x1c: {  	[tilespmem:s19], [sflag:$0x3] =	stream.linear.gather [hbm4b:s7+s2], $0x2710, $0x38;
	[tilespmem:$0x13C00] =	vst v63  }
0x1d: {  	s22 =	simm.s32 $0xED00  }
0x1e: {  	[tilespmem:s22], [sflag:$0x7] =	stream.linear.gather [hbm4b:s8+s2], $0x2710, $0x38;
	[tilespmem:$0x13C00] =	vst v63  }
0x1f: {  	_ = 	snop  }
0x20: {  	[tilespmem:s21], [sflag:$0x4] =	stream.linear.gather [hbm4b:s9+s2], $0x2710, $0x38;
	[tilespmem:$0x13C00] =	vst v63  }
0x21: {  	s4 =	simm.s32 $0x11480  }
0x22: {  	[tilespmem:s4], [sflag:$0x8] =	stream.linear.gather [hbm4b:s10+s2], $0x2710, $0x38;
	[tilespmem:$0x13C00] =	vst v63  }
0x23: {  	_ =	swait.ge [sflag:s23], $0x2710  }
0x24: {  	[sflag:s23] =	ssyncset.done $0x0  }
0x25: {  	[sflag:s23] =	ssyncadd.s32 $0xFFFFD8F0  }
0x26: {  	_ =	swait.ge [sflag:s24], $0x2710  }
0x27: {  	[sflag:s24] =	ssyncset.done $0x0  }
0x28: {  	s22 =	simm.s32 $0x9E20;
	[sflag:s24] =	ssyncadd.s32 $0xFFFFD8F0  }
0x29: {  	v0 =	vld [tilespmem:s22+$0x20]  }
0x2a: {  	v1 =	vld [tilespmem:s22+$0xFFFFFFF0]  }
0x2b: {  	v2 =	vld [tilespmem:s22+$0x0]  }
0x2c: {  	v3 =	vld [tilespmem:s22+$0x10]  }
0x2d: {  	v4 =	vld [tilespmem:s22+$0xFFFFFFE0]  }
0x2e: {  	[tilespmem:s2+$0x40] =	vst.add.f32.msk $0xffff, v0  }
0x2f: {  	[tilespmem:s2+$0x10] =	vst.add.f32.msk $0xffff, v1  }
0x30: {  	[tilespmem:s2+$0x20] =	vst.add.f32.msk $0xffff, v2  }
0x31: {  	[tilespmem:s2+$0x30] =	vst.add.f32.msk $0xffff, v3  }
0x32: {  	s3 =	simm.s32 $0x9E70;
	s4 =	simm.s32 $0x0;
	s22 =	simm.s32 $0x0;
	[tilespmem:s2+$0x0] =	vst.add.f32.msk $0xffff, v4  }
.LBB2_2:
0x33: {  	v0 =	vld [tilespmem:s3+$0x20];
	s22 =	sadd.s32 $0x50, s22  }
0x34: {  	v1 =	vld [tilespmem:s3+$0xFFFFFFF0];
	p0 =	slt.u32 s22, $0x26C0  }
0x35: {  	v2 =	vld [tilespmem:s3+$0x0]  }
0x36: {  	v3 =	vld [tilespmem:s3+$0x10]  }
0x37: {  	s4 =	sadd.s32 $0x50, s4;
	v4 =	vld [tilespmem:s3+$0xFFFFFFE0]  }
.Ltmp0:
0x38: {  	[tilespmem:s4+$0x40] =	vst.add.f32.msk $0xffff, v0;
	(pc) =	sbr.rel @p0 .LBB2_2-.Ltmp0, $4  }
0x39: {  	[tilespmem:s4+$0x10] =	vst.add.f32.msk $0xffff, v1  }
0x3a: {  	[tilespmem:s4+$0x20] =	vst.add.f32.msk $0xffff, v2  }
0x3b: {  	[tilespmem:s4+$0x30] =	vst.add.f32.msk $0xffff, v3  }
0x3c: {  	s3 =	sadd.s32 $0x50, s3;
	[tilespmem:s4+$0x0] =	vst.add.f32.msk $0xffff, v4  }
0x3d: {  	[hbm4b:s11+s2] =	stream.linear.scatter [tilespmem:s2], [sflag:$0x9], $0x2710, $0x38;
	[tilespmem:$0x13C00] =	vst v63  }
0x3e: {  	_ =	swait.ge [sflag:s25], $0x2710  }
0x3f: {  	[sflag:s25] =	ssyncset.done $0x0  }
0x40: {  	[sflag:s25] =	ssyncadd.s32 $0xFFFFD8F0  }
0x41: {  	_ =	swait.ge [sflag:s26], $0x2710  }
0x42: {  	[sflag:s26] =	ssyncset.done $0x0  }
0x43: {  	s3 =	simm.s32 $0xC5A0;
	[sflag:s26] =	ssyncadd.s32 $0xFFFFD8F0  }
0x44: {  	v0 =	vld [tilespmem:s3+$0x20]  }
0x45: {  	v1 =	vld [tilespmem:s3+$0xFFFFFFF0]  }
0x46: {  	v2 =	vld [tilespmem:s3+$0x0]  }
0x47: {  	v3 =	vld [tilespmem:s3+$0x10]  }
0x48: {  	s22 =	simm.s32 $0x2780;
	v4 =	vld [tilespmem:s3+$0xFFFFFFE0]  }
0x49: {  	[tilespmem:s22+$0x40] =	vst.add.f32.msk $0xffff, v0  }
0x4a: {  	[tilespmem:s22+$0x10] =	vst.add.f32.msk $0xffff, v1  }
0x4b: {  	[tilespmem:s22+$0x20] =	vst.add.f32.msk $0xffff, v2  }
0x4c: {  	[tilespmem:s22+$0x30] =	vst.add.f32.msk $0xffff, v3  }
0x4d: {  	s4 =	simm.s32 $0xC5F0;
	s3 =	simm.s32 $0x0;
	[tilespmem:s22+$0x0] =	vst.add.f32.msk $0xffff, v4  }
.LBB2_4:
0x4e: {  	v0 =	vld [tilespmem:s4+$0x20];
	s3 =	sadd.s32 $0x50, s3  }
0x4f: {  	v1 =	vld [tilespmem:s4+$0xFFFFFFF0];
	p0 =	slt.u32 s3, $0x26C0  }
0x50: {  	v2 =	vld [tilespmem:s4+$0x0]  }
0x51: {  	v3 =	vld [tilespmem:s4+$0x10]  }
0x52: {  	s22 =	sadd.s32 $0x50, s22;
	v4 =	vld [tilespmem:s4+$0xFFFFFFE0]  }
.Ltmp1:
0x53: {  	[tilespmem:s22+$0x40] =	vst.add.f32.msk $0xffff, v0;
	(pc) =	sbr.rel @p0 .LBB2_4-.Ltmp1, $4  }
0x54: {  	[tilespmem:s22+$0x10] =	vst.add.f32.msk $0xffff, v1  }
0x55: {  	[tilespmem:s22+$0x20] =	vst.add.f32.msk $0xffff, v2  }
0x56: {  	[tilespmem:s22+$0x30] =	vst.add.f32.msk $0xffff, v3  }
0x57: {  	s4 =	sadd.s32 $0x50, s4;
	[tilespmem:s22+$0x0] =	vst.add.f32.msk $0xffff, v4  }
0x58: {  	[hbm4b:s12+s2] =	stream.linear.scatter [tilespmem:s17], [sflag:$0xA], $0x2710, $0x38;
	[tilespmem:$0x13C00] =	vst v63  }
0x59: {  	_ =	swait.ge [sflag:s28], $0x2710  }
0x5a: {  	[sflag:s28] =	ssyncset.done $0x0  }
0x5b: {  	[sflag:s28] =	ssyncadd.s32 $0xFFFFD8F0  }
0x5c: {  	_ =	swait.ge [sflag:s29], $0x2710  }
0x5d: {  	[sflag:s29] =	ssyncset.done $0x0  }
0x5e: {  	s3 =	simm.s32 $0xED20;
	[sflag:s29] =	ssyncadd.s32 $0xFFFFD8F0  }
0x5f: {  	v0 =	vld [tilespmem:s3+$0x20]  }
0x60: {  	v1 =	vld [tilespmem:s3+$0xFFFFFFF0]  }
0x61: {  	v2 =	vld [tilespmem:s3+$0x0]  }
0x62: {  	v3 =	vld [tilespmem:s3+$0x10]  }
0x63: {  	s22 =	simm.s32 $0x4F00;
	v4 =	vld [tilespmem:s3+$0xFFFFFFE0]  }
0x64: {  	[tilespmem:s22+$0x40] =	vst.add.f32.msk $0xffff, v0  }
0x65: {  	[tilespmem:s22+$0x10] =	vst.add.f32.msk $0xffff, v1  }
0x66: {  	[tilespmem:s22+$0x20] =	vst.add.f32.msk $0xffff, v2  }
0x67: {  	[tilespmem:s22+$0x30] =	vst.add.f32.msk $0xffff, v3  }
0x68: {  	s4 =	simm.s32 $0xED70;
	s3 =	simm.s32 $0x0;
	[tilespmem:s22+$0x0] =	vst.add.f32.msk $0xffff, v4  }
.LBB2_6:
0x69: {  	v0 =	vld [tilespmem:s4+$0x20];
	s3 =	sadd.s32 $0x50, s3  }
0x6a: {  	v1 =	vld [tilespmem:s4+$0xFFFFFFF0];
	p0 =	slt.u32 s3, $0x26C0  }
0x6b: {  	v2 =	vld [tilespmem:s4+$0x0]  }
0x6c: {  	v3 =	vld [tilespmem:s4+$0x10]  }
0x6d: {  	s22 =	sadd.s32 $0x50, s22;
	v4 =	vld [tilespmem:s4+$0xFFFFFFE0]  }
.Ltmp2:
0x6e: {  	[tilespmem:s22+$0x40] =	vst.add.f32.msk $0xffff, v0;
	(pc) =	sbr.rel @p0 .LBB2_6-.Ltmp2, $4  }
0x6f: {  	[tilespmem:s22+$0x10] =	vst.add.f32.msk $0xffff, v1  }
0x70: {  	[tilespmem:s22+$0x20] =	vst.add.f32.msk $0xffff, v2  }
0x71: {  	[tilespmem:s22+$0x30] =	vst.add.f32.msk $0xffff, v3  }
0x72: {  	s4 =	sadd.s32 $0x50, s4;
	[tilespmem:s22+$0x0] =	vst.add.f32.msk $0xffff, v4  }
0x73: {  	[hbm4b:s13+s2] =	stream.linear.scatter [tilespmem:s19], [sflag:$0xB], $0x2710, $0x38;
	[tilespmem:$0x13C00] =	vst v63  }
0x74: {  	_ =	swait.ge [sflag:s30], $0x2710  }
0x75: {  	[sflag:s30] =	ssyncset.done $0x0  }
0x76: {  	[sflag:s30] =	ssyncadd.s32 $0xFFFFD8F0  }
0x77: {  	_ =	swait.ge [sflag:s31], $0x2710  }
0x78: {  	[sflag:s31] =	ssyncset.done $0x0  }
0x79: {  	s3 =	simm.s32 $0x114A0;
	[sflag:s31] =	ssyncadd.s32 $0xFFFFD8F0  }
0x7a: {  	v0 =	vld [tilespmem:s3+$0x20]  }
0x7b: {  	v1 =	vld [tilespmem:s3+$0xFFFFFFF0]  }
0x7c: {  	v2 =	vld [tilespmem:s3+$0x0]  }
0x7d: {  	v3 =	vld [tilespmem:s3+$0x10]  }
0x7e: {  	s22 =	simm.s32 $0x7680;
	v4 =	vld [tilespmem:s3+$0xFFFFFFE0]  }
0x7f: {  	[tilespmem:s22+$0x40] =	vst.add.f32.msk $0xffff, v0  }
0x80: {  	[tilespmem:s22+$0x10] =	vst.add.f32.msk $0xffff, v1  }
0x81: {  	[tilespmem:s22+$0x20] =	vst.add.f32.msk $0xffff, v2  }
0x82: {  	[tilespmem:s22+$0x30] =	vst.add.f32.msk $0xffff, v3  }
0x83: {  	s4 =	simm.s32 $0x114F0;
	s3 =	simm.s32 $0x0;
	[tilespmem:s22+$0x0] =	vst.add.f32.msk $0xffff, v4  }
.LBB2_8:
0x84: {  	v0 =	vld [tilespmem:s4+$0x20];
	s3 =	sadd.s32 $0x50, s3  }
0x85: {  	v1 =	vld [tilespmem:s4+$0xFFFFFFF0];
	p0 =	slt.u32 s3, $0x26C0  }
0x86: {  	v2 =	vld [tilespmem:s4+$0x0]  }
0x87: {  	v3 =	vld [tilespmem:s4+$0x10]  }
0x88: {  	s22 =	sadd.s32 $0x50, s22;
	v4 =	vld [tilespmem:s4+$0xFFFFFFE0]  }
.Ltmp3:
0x89: {  	[tilespmem:s22+$0x40] =	vst.add.f32.msk $0xffff, v0;
	(pc) =	sbr.rel @p0 .LBB2_8-.Ltmp3, $4  }
0x8a: {  	[tilespmem:s22+$0x10] =	vst.add.f32.msk $0xffff, v1  }
0x8b: {  	[tilespmem:s22+$0x20] =	vst.add.f32.msk $0xffff, v2  }
0x8c: {  	[tilespmem:s22+$0x30] =	vst.add.f32.msk $0xffff, v3  }
0x8d: {  	s4 =	sadd.s32 $0x50, s4;
	[tilespmem:s22+$0x0] =	vst.add.f32.msk $0xffff, v4  }
0x8e: {  	[hbm4b:s14+s2] =	stream.linear.scatter [tilespmem:s21], [sflag:$0xC], $0x2710, $0x38;
	[tilespmem:$0x13C00] =	vst v63  }
0x8f: {  	_ =	swait.ge [sflag:s1], $0x2710  }
0x90: {  	[sflag:s1] =	ssyncset.done $0x0  }
0x91: {  	[sflag:s1] =	ssyncadd.s32 $0xFFFFD8F0  }
0x92: {  	_ =	swait.ge [sflag:s0], $0x2710  }
0x93: {  	[sflag:s0] =	ssyncset.done $0x0  }
0x94: {  	s20 =	sadd.s32 $0x1, s20;
	[sflag:s0] =	ssyncadd.s32 $0xFFFFD8F0  }
0x95: {  	p0 =	sne.s32 s20, s15;
	_ =	swait.ge [sflag:s16], $0x2710  }
.Ltmp4:
0x96: {  	[sflag:s16] =	ssyncset.done $0x0;
	(pc) =	sbr.rel @p0 .LBB2_1-.Ltmp4, $4  }
0x97: {  	[sflag:s16] =	ssyncadd.s32 $0xFFFFD8F0  }
0x98: {  	_ =	swait.ge [sflag:s18], $0x2710  }
0x99: {  	[sflag:s18] =	ssyncset.done $0x0  }
0x9a: {  	[sflag:s18] =	ssyncadd.s32 $0xFFFFD8F0  }
0x9b: {  	_ =	sfence.sel $0x180000  }
0x9c: {  	[bflag:$0x0] =	sbarrier.arrive $0xFFFF  }
0x9d: {  	_ =	strace $0x90000047  }
0x9e: {  	s0 =	stileid.u32;
	[bflag:$0x2] =	sbarrier.arrive $0xFFFF  }
0x9f: {  	p0 =	sne.s32 s0, $0x0;
	s0 =	rddreg [dreg:$0x3]  }
0xa0: {  	s0 =	sadd.s32 @!p0 $0x100000, s0  }
0xa1: {  	[sflag:s0] =	ssyncadd.tile.s32 @!p0 $0x1;
	_ =	shalt  }
.Lfunc_end2:
_tile_overlayer_lowered:
.L_overlay_start_2:
0xa2: {  	(tag) =	ssettag $0x2  }
0xa3: {  	s0 =	rddreg [dreg:$0x0];
	s2 =	stileid.u32  }
0xa4: {  	s1 =	rddreg [dreg:$0x1];
	p0 =	sne.s32 s2, $0x0  }
0xa5: {  	s3 =	rddreg [dreg:$0x2];
	[bflag:$0x3] =	sbarrier.arrive $0xFFFF;
	s2 =	simm.s32 @!p0 $0x1C0D  }
0xa6: {  	[timem:s3], [sflag:s2] =	dma.local @!p0 [hbm:s0], s1  }
0xa7: {  	s0 =	simm.s32 @!p0 $0xD  }
0xa8: {  	_ =	swait.ge @!p0 [sflag:s0], s1  }
0xa9: {  	s1 =	ssub.s32 @!p0 $0x0, s1;
	[sflag:s0] =	ssyncset.done @!p0 $0x0  }
0xaa: {  	[sflag:s0] =	ssyncadd.s32 @!p0 s1  }
0xab: {  	[bflag:$0x3] =	sbarrier.arrive $0xFFFF  }
0xac: {  	_ =	shalt  }

</sc_bundles>
